<compile_context>
chip_gen: v7x
topology: tpu7x:2x2x1
jax: 0.10.2.dev20260603
libtpu: 0.0.44.dev20260713+nightly
codegen_flags: <defaults>
</compile_context>

<pallas_src>
import functools

import jax
import jax.numpy as jnp
from jax import lax
from jax.experimental import pallas as pl
from jax.experimental.pallas import tpu as pltpu
from jax.experimental.pallas import tpu_sc as plsc

D = 768
NUM_EXPERTS = 8
ACTIVE = 2
TB = 2048
TOKENS = 32768
NW = 32
PW = TOKENS // NW
L = 16
GROUPS = PW // L


def _scores_block(x_ref, w_ref, st_ref):
    st_ref[...] = lax.dot_general(
        w_ref[...], x_ref[...],
        (((0,), (1,)), ((), ())),
        preferred_element_type=jnp.float32,
    )


def _scores_t(x, weights):
    tokens = x.shape[0]
    return pl.pallas_call(
        _scores_block,
        grid=(tokens // TB,),
        in_specs=[
            pl.BlockSpec((TB, D), lambda i: (i, 0)),
            pl.BlockSpec((D, NUM_EXPERTS), lambda i: (0, 0)),
        ],
        out_specs=pl.BlockSpec((NUM_EXPERTS, TB), lambda i: (0, i)),
        out_shape=jax.ShapeDtypeStruct((NUM_EXPERTS, tokens), jnp.float32),
    )(x, weights)


_mesh = plsc.VectorSubcoreMesh(core_axis_name="c", subcore_axis_name="s")


@functools.partial(
    pl.kernel,
    mesh=_mesh,
    out_type=[
        jax.ShapeDtypeStruct((ACTIVE, TOKENS), jnp.float32),
        jax.ShapeDtypeStruct((ACTIVE, TOKENS), jnp.int32),
    ],
    scratch_types=[
        pltpu.VMEM((NUM_EXPERTS, PW), jnp.float32),
        pltpu.VMEM((PW,), jnp.float32),
        pltpu.VMEM((PW,), jnp.float32),
        pltpu.VMEM((PW,), jnp.int32),
        pltpu.VMEM((PW,), jnp.int32),
    ],
)
def _route(st_hbm, ps_hbm, es_hbm, sv, p1v, p2v, i1v, i2v):
    wid = lax.axis_index("s") * 2 + lax.axis_index("c")
    base = wid * PW
    pltpu.sync_copy(st_hbm.at[:, pl.ds(base, PW)], sv)

    def body(g, carry):
        off = g * L
        m1 = sv[0, pl.ds(off, L)]
        i1 = jnp.zeros((L,), jnp.int32)
        m2 = jnp.full((L,), -jnp.inf, jnp.float32)
        i2 = jnp.zeros((L,), jnp.int32)
        for e in range(1, NUM_EXPERTS):
            se = sv[e, pl.ds(off, L)]
            ev = jnp.full((L,), e, jnp.int32)
            gt1 = se > m1
            gt2 = se > m2
            m2 = jnp.where(gt1, m1, jnp.where(gt2, se, m2))
            i2 = jnp.where(gt1, i1, jnp.where(gt2, ev, i2))
            m1 = jnp.where(gt1, se, m1)
            i1 = jnp.where(gt1, ev, i1)
        ex = jnp.exp(m2 - m1)
        den = 1.0 + ex
        p1v[pl.ds(off, L)] = 1.0 / den
        p2v[pl.ds(off, L)] = ex / den
        i1v[pl.ds(off, L)] = i1
        i2v[pl.ds(off, L)] = i2
        return carry

    lax.fori_loop(0, GROUPS, body, 0)
    pltpu.sync_copy(p1v, ps_hbm.at[0, pl.ds(base, PW)])
    pltpu.sync_copy(p2v, ps_hbm.at[1, pl.ds(base, PW)])
    pltpu.sync_copy(i1v, es_hbm.at[0, pl.ds(base, PW)])
    pltpu.sync_copy(i2v, es_hbm.at[1, pl.ds(base, PW)])


@jax.jit
def kernel(x, weights):
    st = _scores_t(x, weights)
    ps, es = _route(st)
    return (ps.T, es.T)

# --- scband reference (transcript-rebuilt; emitter-appended) ---
"""Pipeline reference for scband-gate-12489764896829 (READ-ONLY COPY).

The authoritative reference and input builder live on the scoring server;
editing this copy changes nothing except your own understanding.
"""

import jax, jax.numpy as jnp
import numpy as np

D = 768
NUM_EXPERTS = 8
ACTIVE_EXPERTS = 2
TOKENS = 32768

def setup_inputs(seed: int = 0) -> dict:
    key = jax.random.key(seed)
    k1, k2 = jax.random.split(key)
    x = jax.random.normal(k1, (TOKENS, D), dtype=jnp.float32)
    weights = jax.random.normal(k2, (D, NUM_EXPERTS), dtype=jnp.float32)
    return {"x": x, "weights": weights}

def reference(x, weights):
    scores = x @ weights
    scores, experts = jax.lax.top_k(scores, ACTIVE_EXPERTS)
    scores = jax.nn.softmax(scores, axis=-1)
    return (scores, experts)

if __name__ == "__main__":
    import jax
    _d = setup_inputs()
    print(jax.jit(kernel)(*tuple(_d.values())))

</pallas_src>

<mosaic_0001>
#map = affine_map<(d0, d1) -> (0, 0)>
module attributes {stable_mosaic.version = 14 : i64} {
  func.func @_route(%arg0: i32, %arg1: i32, %arg2: memref<8x32768xf32, #tpu.memory_space<hbm>>, %arg3: memref<2x32768xf32, #tpu.memory_space<hbm>>, %arg4: memref<2x32768xi32, #tpu.memory_space<hbm>>, %arg5: memref<8x1024xf32, #tpu.memory_space<vmem>>, %arg6: memref<1024xf32, #tpu.memory_space<vmem>>, %arg7: memref<1024xf32, #tpu.memory_space<vmem>>, %arg8: memref<1024xi32, #tpu.memory_space<vmem>>, %arg9: memref<1024xi32, #tpu.memory_space<vmem>>) attributes {dimension_semantics = [#tpu.dimension_semantics<core_parallel>, #tpu.dimension_semantics<subcore_parallel>], iteration_bounds = array<i64: 2, 16>, scalar_prefetch = 0 : i64, scratch_operands = 5 : i64, tpu.core_type = #tpu.core_type<sc_vector_subcore>, window_params = [{transform_indices = #map}, {transform_indices = #map}, {transform_indices = #map}]} {
    %mul3A = arith.constant 2 : i32
    %mul3A_0 = arith.muli %arg1, %mul3A : i32
    %add3A = arith.addi %mul3A_0, %arg0 : i32
    %mul3A_1 = arith.constant 1024 : i32
    %mul3A_2 = arith.muli %add3A, %mul3A_1 : i32
    "tpu.region"() ({
      %run_scoped3A_11 = tpu.sem_alloc : memref<!tpu.dma_semaphore, #tpu.memory_space<semaphore_mem>>
      %dma_start3A = arith.constant 0 : i32
      %dma_start3A_12 = tpu.memref_slice %arg2[%dma_start3A, %mul3A_2] : memref<8x32768xf32, #tpu.memory_space<hbm>> -> memref<8x1024xf32, #tpu.memory_space<hbm>>
      %dma_start3A_13 = arith.constant 0 : i32
      %dma_start3A_14 = tpu.memref_slice %arg2[%dma_start3A_13, %mul3A_2] : memref<8x32768xf32, #tpu.memory_space<hbm>> -> memref<8x1024xf32, #tpu.memory_space<hbm>>
      tpu.enqueue_dma source(%dma_start3A_14 : memref<8x1024xf32, #tpu.memory_space<hbm>>) target(%arg5 : memref<8x1024xf32, #tpu.memory_space<vmem>>) target_semaphore(%run_scoped3A_11 : memref<!tpu.dma_semaphore, #tpu.memory_space<semaphore_mem>>)
      %dma_wait3A = arith.constant 0 : i32
      %dma_wait3A_15 = tpu.memref_slice %arg2[%dma_wait3A, %mul3A_2] : memref<8x32768xf32, #tpu.memory_space<hbm>> -> memref<8x1024xf32, #tpu.memory_space<hbm>>
      %dma_wait3A_16 = arith.constant 0 : i32
      %dma_wait3A_17 = tpu.memref_slice %arg2[%dma_wait3A_16, %mul3A_2] : memref<8x32768xf32, #tpu.memory_space<hbm>> -> memref<8x1024xf32, #tpu.memory_space<hbm>>
      tpu.wait_dma2 semaphore(%run_scoped3A_11 : memref<!tpu.dma_semaphore, #tpu.memory_space<semaphore_mem>>) src(%dma_wait3A_17 : memref<8x1024xf32, #tpu.memory_space<hbm>>) dst(%arg5 : memref<8x1024xf32, #tpu.memory_space<vmem>>)
      tpu.yield
    }) : () -> ()
    %scan3A = arith.constant 0 : i32
    %scan3A_3 = arith.constant 0 : i32
    %scan3A_4 = arith.constant 64 : i32
    %scan3A_5 = arith.addi %scan3A_3, %scan3A_4 : i32
    %scan3A_6 = arith.constant 1 : i32
    scf.for %scan3A_11 = %scan3A_3 to %scan3A_5 step %scan3A_6  : i32 {
      %mul3A_12 = arith.constant 16 : i32
      %mul3A_13 = arith.muli %scan3A_11, %mul3A_12 : i32
      %get3A = arith.constant 0 : i32
      %get3A_14 = arith.index_cast %get3A : i32 to index
      %get3A_15 = arith.index_cast %mul3A_13 : i32 to index
      %get3A_16 = tpu.vector_load %arg5[%get3A_14, %get3A_15] {strides = array<i32>} : memref<8x1024xf32, #tpu.memory_space<vmem>>, vector<1x16xf32>,
      %get3A_17 = vector.shape_cast %get3A_16 : vector<1x16xf32> to vector<16xf32>
      %broadcast_in_dim3A = arith.constant 0 : i32
      %broadcast_in_dim3A_18 = vector.broadcast %broadcast_in_dim3A : i32 to vector<16xi32>
      %broadcast_in_dim3A_19 = arith.constant 0xFF800000 : f32
      %broadcast_in_dim3A_20 = vector.broadcast %broadcast_in_dim3A_19 : f32 to vector<16xf32>
      %broadcast_in_dim3A_21 = arith.constant 0 : i32
      %broadcast_in_dim3A_22 = vector.broadcast %broadcast_in_dim3A_21 : i32 to vector<16xi32>
      %get3A_23 = arith.constant 1 : i32
      %get3A_24 = arith.index_cast %get3A_23 : i32 to index
      %get3A_25 = arith.index_cast %mul3A_13 : i32 to index
      %get3A_26 = tpu.vector_load %arg5[%get3A_24, %get3A_25] {strides = array<i32>} : memref<8x1024xf32, #tpu.memory_space<vmem>>, vector<1x16xf32>,
      %get3A_27 = vector.shape_cast %get3A_26 : vector<1x16xf32> to vector<16xf32>
      %broadcast_in_dim3A_28 = arith.constant 1 : i32
      %broadcast_in_dim3A_29 = vector.broadcast %broadcast_in_dim3A_28 : i32 to vector<16xi32>
      %gt3A = arith.cmpf ogt, %get3A_27, %get3A_17 : vector<16xf32>
      %gt3A_30 = arith.cmpf ogt, %get3A_27, %broadcast_in_dim3A_20 : vector<16xf32>
      %select_n3A = arith.select %gt3A_30, %get3A_27, %broadcast_in_dim3A_20 : vector<16xi1>, vector<16xf32>
      %select_n3A_31 = arith.select %gt3A, %get3A_17, %select_n3A : vector<16xi1>, vector<16xf32>
      %select_n3A_32 = arith.select %gt3A_30, %broadcast_in_dim3A_29, %broadcast_in_dim3A_22 : vector<16xi1>, vector<16xi32>
      %select_n3A_33 = arith.select %gt3A, %broadcast_in_dim3A_18, %select_n3A_32 : vector<16xi1>, vector<16xi32>
      %select_n3A_34 = arith.select %gt3A, %get3A_27, %get3A_17 : vector<16xi1>, vector<16xf32>
      %select_n3A_35 = arith.select %gt3A, %broadcast_in_dim3A_29, %broadcast_in_dim3A_18 : vector<16xi1>, vector<16xi32>
      %get3A_36 = arith.constant 2 : i32
      %get3A_37 = arith.index_cast %get3A_36 : i32 to index
      %get3A_38 = arith.index_cast %mul3A_13 : i32 to index
      %get3A_39 = tpu.vector_load %arg5[%get3A_37, %get3A_38] {strides = array<i32>} : memref<8x1024xf32, #tpu.memory_space<vmem>>, vector<1x16xf32>,
      %get3A_40 = vector.shape_cast %get3A_39 : vector<1x16xf32> to vector<16xf32>
      %broadcast_in_dim3A_41 = arith.constant 2 : i32
      %broadcast_in_dim3A_42 = vector.broadcast %broadcast_in_dim3A_41 : i32 to vector<16xi32>
      %gt3A_43 = arith.cmpf ogt, %get3A_40, %select_n3A_34 : vector<16xf32>
      %gt3A_44 = arith.cmpf ogt, %get3A_40, %select_n3A_31 : vector<16xf32>
      %select_n3A_45 = arith.select %gt3A_44, %get3A_40, %select_n3A_31 : vector<16xi1>, vector<16xf32>
      %select_n3A_46 = arith.select %gt3A_43, %select_n3A_34, %select_n3A_45 : vector<16xi1>, vector<16xf32>
      %select_n3A_47 = arith.select %gt3A_44, %broadcast_in_dim3A_42, %select_n3A_33 : vector<16xi1>, vector<16xi32>
      %select_n3A_48 = arith.select %gt3A_43, %select_n3A_35, %select_n3A_47 : vector<16xi1>, vector<16xi32>
      %select_n3A_49 = arith.select %gt3A_43, %get3A_40, %select_n3A_34 : vector<16xi1>, vector<16xf32>
      %select_n3A_50 = arith.select %gt3A_43, %broadcast_in_dim3A_42, %select_n3A_35 : vector<16xi1>, vector<16xi32>
      %get3A_51 = arith.constant 3 : i32
      %get3A_52 = arith.index_cast %get3A_51 : i32 to index
      %get3A_53 = arith.index_cast %mul3A_13 : i32 to index
      %get3A_54 = tpu.vector_load %arg5[%get3A_52, %get3A_53] {strides = array<i32>} : memref<8x1024xf32, #tpu.memory_space<vmem>>, vector<1x16xf32>,
      %get3A_55 = vector.shape_cast %get3A_54 : vector<1x16xf32> to vector<16xf32>
      %broadcast_in_dim3A_56 = arith.constant 3 : i32
      %broadcast_in_dim3A_57 = vector.broadcast %broadcast_in_dim3A_56 : i32 to vector<16xi32>
      %gt3A_58 = arith.cmpf ogt, %get3A_55, %select_n3A_49 : vector<16xf32>
      %gt3A_59 = arith.cmpf ogt, %get3A_55, %select_n3A_46 : vector<16xf32>
      %select_n3A_60 = arith.select %gt3A_59, %get3A_55, %select_n3A_46 : vector<16xi1>, vector<16xf32>
      %select_n3A_61 = arith.select %gt3A_58, %select_n3A_49, %select_n3A_60 : vector<16xi1>, vector<16xf32>
      %select_n3A_62 = arith.select %gt3A_59, %broadcast_in_dim3A_57, %select_n3A_48 : vector<16xi1>, vector<16xi32>
      %select_n3A_63 = arith.select %gt3A_58, %select_n3A_50, %select_n3A_62 : vector<16xi1>, vector<16xi32>
      %select_n3A_64 = arith.select %gt3A_58, %get3A_55, %select_n3A_49 : vector<16xi1>, vector<16xf32>
      %select_n3A_65 = arith.select %gt3A_58, %broadcast_in_dim3A_57, %select_n3A_50 : vector<16xi1>, vector<16xi32>
      %get3A_66 = arith.constant 4 : i32
      %get3A_67 = arith.index_cast %get3A_66 : i32 to index
      %get3A_68 = arith.index_cast %mul3A_13 : i32 to index
      %get3A_69 = tpu.vector_load %arg5[%get3A_67, %get3A_68] {strides = array<i32>} : memref<8x1024xf32, #tpu.memory_space<vmem>>, vector<1x16xf32>,
      %get3A_70 = vector.shape_cast %get3A_69 : vector<1x16xf32> to vector<16xf32>
      %broadcast_in_dim3A_71 = arith.constant 4 : i32
      %broadcast_in_dim3A_72 = vector.broadcast %broadcast_in_dim3A_71 : i32 to vector<16xi32>
      %gt3A_73 = arith.cmpf ogt, %get3A_70, %select_n3A_64 : vector<16xf32>
      %gt3A_74 = arith.cmpf ogt, %get3A_70, %select_n3A_61 : vector<16xf32>
      %select_n3A_75 = arith.select %gt3A_74, %get3A_70, %select_n3A_61 : vector<16xi1>, vector<16xf32>
      %select_n3A_76 = arith.select %gt3A_73, %select_n3A_64, %select_n3A_75 : vector<16xi1>, vector<16xf32>
      %select_n3A_77 = arith.select %gt3A_74, %broadcast_in_dim3A_72, %select_n3A_63 : vector<16xi1>, vector<16xi32>
      %select_n3A_78 = arith.select %gt3A_73, %select_n3A_65, %select_n3A_77 : vector<16xi1>, vector<16xi32>
      %select_n3A_79 = arith.select %gt3A_73, %get3A_70, %select_n3A_64 : vector<16xi1>, vector<16xf32>
      %select_n3A_80 = arith.select %gt3A_73, %broadcast_in_dim3A_72, %select_n3A_65 : vector<16xi1>, vector<16xi32>
      %get3A_81 = arith.constant 5 : i32
      %get3A_82 = arith.index_cast %get3A_81 : i32 to index
      %get3A_83 = arith.index_cast %mul3A_13 : i32 to index
      %get3A_84 = tpu.vector_load %arg5[%get3A_82, %get3A_83] {strides = array<i32>} : memref<8x1024xf32, #tpu.memory_space<vmem>>, vector<1x16xf32>,
      %get3A_85 = vector.shape_cast %get3A_84 : vector<1x16xf32> to vector<16xf32>
      %broadcast_in_dim3A_86 = arith.constant 5 : i32
      %broadcast_in_dim3A_87 = vector.broadcast %broadcast_in_dim3A_86 : i32 to vector<16xi32>
      %gt3A_88 = arith.cmpf ogt, %get3A_85, %select_n3A_79 : vector<16xf32>
      %gt3A_89 = arith.cmpf ogt, %get3A_85, %select_n3A_76 : vector<16xf32>
      %select_n3A_90 = arith.select %gt3A_89, %get3A_85, %select_n3A_76 : vector<16xi1>, vector<16xf32>
      %select_n3A_91 = arith.select %gt3A_88, %select_n3A_79, %select_n3A_90 : vector<16xi1>, vector<16xf32>
      %select_n3A_92 = arith.select %gt3A_89, %broadcast_in_dim3A_87, %select_n3A_78 : vector<16xi1>, vector<16xi32>
      %select_n3A_93 = arith.select %gt3A_88, %select_n3A_80, %select_n3A_92 : vector<16xi1>, vector<16xi32>
      %select_n3A_94 = arith.select %gt3A_88, %get3A_85, %select_n3A_79 : vector<16xi1>, vector<16xf32>
      %select_n3A_95 = arith.select %gt3A_88, %broadcast_in_dim3A_87, %select_n3A_80 : vector<16xi1>, vector<16xi32>
      %get3A_96 = arith.constant 6 : i32
      %get3A_97 = arith.index_cast %get3A_96 : i32 to index
      %get3A_98 = arith.index_cast %mul3A_13 : i32 to index
      %get3A_99 = tpu.vector_load %arg5[%get3A_97, %get3A_98] {strides = array<i32>} : memref<8x1024xf32, #tpu.memory_space<vmem>>, vector<1x16xf32>,
      %get3A_100 = vector.shape_cast %get3A_99 : vector<1x16xf32> to vector<16xf32>
      %broadcast_in_dim3A_101 = arith.constant 6 : i32
      %broadcast_in_dim3A_102 = vector.broadcast %broadcast_in_dim3A_101 : i32 to vector<16xi32>
      %gt3A_103 = arith.cmpf ogt, %get3A_100, %select_n3A_94 : vector<16xf32>
      %gt3A_104 = arith.cmpf ogt, %get3A_100, %select_n3A_91 : vector<16xf32>
      %select_n3A_105 = arith.select %gt3A_104, %get3A_100, %select_n3A_91 : vector<16xi1>, vector<16xf32>
      %select_n3A_106 = arith.select %gt3A_103, %select_n3A_94, %select_n3A_105 : vector<16xi1>, vector<16xf32>
      %select_n3A_107 = arith.select %gt3A_104, %broadcast_in_dim3A_102, %select_n3A_93 : vector<16xi1>, vector<16xi32>
      %select_n3A_108 = arith.select %gt3A_103, %select_n3A_95, %select_n3A_107 : vector<16xi1>, vector<16xi32>
      %select_n3A_109 = arith.select %gt3A_103, %get3A_100, %select_n3A_94 : vector<16xi1>, vector<16xf32>
      %select_n3A_110 = arith.select %gt3A_103, %broadcast_in_dim3A_102, %select_n3A_95 : vector<16xi1>, vector<16xi32>
      %get3A_111 = arith.constant 7 : i32
      %get3A_112 = arith.index_cast %get3A_111 : i32 to index
      %get3A_113 = arith.index_cast %mul3A_13 : i32 to index
      %get3A_114 = tpu.vector_load %arg5[%get3A_112, %get3A_113] {strides = array<i32>} : memref<8x1024xf32, #tpu.memory_space<vmem>>, vector<1x16xf32>,
      %get3A_115 = vector.shape_cast %get3A_114 : vector<1x16xf32> to vector<16xf32>
      %broadcast_in_dim3A_116 = arith.constant 7 : i32
      %broadcast_in_dim3A_117 = vector.broadcast %broadcast_in_dim3A_116 : i32 to vector<16xi32>
      %gt3A_118 = arith.cmpf ogt, %get3A_115, %select_n3A_109 : vector<16xf32>
      %gt3A_119 = arith.cmpf ogt, %get3A_115, %select_n3A_106 : vector<16xf32>
      %select_n3A_120 = arith.select %gt3A_119, %get3A_115, %select_n3A_106 : vector<16xi1>, vector<16xf32>
      %select_n3A_121 = arith.select %gt3A_118, %select_n3A_109, %select_n3A_120 : vector<16xi1>, vector<16xf32>
      %select_n3A_122 = arith.select %gt3A_119, %broadcast_in_dim3A_117, %select_n3A_108 : vector<16xi1>, vector<16xi32>
      %select_n3A_123 = arith.select %gt3A_118, %select_n3A_110, %select_n3A_122 : vector<16xi1>, vector<16xi32>
      %select_n3A_124 = arith.select %gt3A_118, %get3A_115, %select_n3A_109 : vector<16xi1>, vector<16xf32>
      %select_n3A_125 = arith.select %gt3A_118, %broadcast_in_dim3A_117, %select_n3A_110 : vector<16xi1>, vector<16xi32>
      %sub3A = arith.subf %select_n3A_121, %select_n3A_124 : vector<16xf32>
      %exp3A = math.exp %sub3A : vector<16xf32>
      %add3A_126 = arith.constant 1.000000e+00 : f32
      %add3A_127 = vector.broadcast %add3A_126 : f32 to vector<16xf32>
      %add3A_128 = arith.addf %add3A_127, %exp3A : vector<16xf32>
      %div3A = arith.constant 1.000000e+00 : f32
      %div3A_129 = vector.broadcast %div3A : f32 to vector<16xf32>
      %div3A_130 = arith.divf %div3A_129, %add3A_128 : vector<16xf32>
      %swap3A = arith.index_cast %mul3A_13 : i32 to index
      %swap3A_131 = tpu.vector_load %arg6[%swap3A] {strides = array<i32>} : memref<1024xf32, #tpu.memory_space<vmem>>, vector<16xf32>,
      %swap3A_132 = vector.shape_cast %swap3A_131 : vector<16xf32> to vector<16xf32>
      %swap3A_133 = vector.shape_cast %div3A_130 : vector<16xf32> to vector<16xf32>
      tpu.vector_store %arg6[%swap3A], %swap3A_133 {strides = array<i32>} : memref<1024xf32, #tpu.memory_space<vmem>>, vector<16xf32>,
      %div3A_134 = arith.divf %exp3A, %add3A_128 : vector<16xf32>
      %swap3A_135 = arith.index_cast %mul3A_13 : i32 to index
      %swap3A_136 = tpu.vector_load %arg7[%swap3A_135] {strides = array<i32>} : memref<1024xf32, #tpu.memory_space<vmem>>, vector<16xf32>,
      %swap3A_137 = vector.shape_cast %swap3A_136 : vector<16xf32> to vector<16xf32>
      %swap3A_138 = vector.shape_cast %div3A_134 : vector<16xf32> to vector<16xf32>
      tpu.vector_store %arg7[%swap3A_135], %swap3A_138 {strides = array<i32>} : memref<1024xf32, #tpu.memory_space<vmem>>, vector<16xf32>,
      %swap3A_139 = arith.index_cast %mul3A_13 : i32 to index
      %swap3A_140 = tpu.vector_load %arg8[%swap3A_139] {strides = array<i32>} : memref<1024xi32, #tpu.memory_space<vmem>>, vector<16xi32>,
      %swap3A_141 = vector.shape_cast %swap3A_140 : vector<16xi32> to vector<16xi32>
      %swap3A_142 = vector.shape_cast %select_n3A_125 : vector<16xi32> to vector<16xi32>
      tpu.vector_store %arg8[%swap3A_139], %swap3A_142 {strides = array<i32>} : memref<1024xi32, #tpu.memory_space<vmem>>, vector<16xi32>,
      %swap3A_143 = arith.index_cast %mul3A_13 : i32 to index
      %swap3A_144 = tpu.vector_load %arg9[%swap3A_143] {strides = array<i32>} : memref<1024xi32, #tpu.memory_space<vmem>>, vector<16xi32>,
      %swap3A_145 = vector.shape_cast %swap3A_144 : vector<16xi32> to vector<16xi32>
      %swap3A_146 = vector.shape_cast %select_n3A_123 : vector<16xi32> to vector<16xi32>
      tpu.vector_store %arg9[%swap3A_143], %swap3A_146 {strides = array<i32>} : memref<1024xi32, #tpu.memory_space<vmem>>, vector<16xi32>,
    }
    %scan3A_7 = arith.constant 64 : i32
    %run_scoped3A = arith.constant 0 : i32
    "tpu.region"() ({
      %run_scoped3A_11 = tpu.sem_alloc : memref<!tpu.dma_semaphore, #tpu.memory_space<semaphore_mem>>
      %dma_start3A = tpu.memref_slice %arg3[%run_scoped3A, %mul3A_2] : memref<2x32768xf32, #tpu.memory_space<hbm>> -> memref<1x1024xf32, #tpu.memory_space<hbm>>
      %dma_start3A_12 = tpu.memref_squeeze %dma_start3A : memref<1x1024xf32, #tpu.memory_space<hbm>> -> memref<1024xf32, #tpu.memory_space<hbm>>
      %dma_start3A_13 = tpu.memref_slice %arg3[%run_scoped3A, %mul3A_2] : memref<2x32768xf32, #tpu.memory_space<hbm>> -> memref<1x1024xf32, #tpu.memory_space<hbm>>
      %dma_start3A_14 = tpu.memref_squeeze %dma_start3A_13 : memref<1x1024xf32, #tpu.memory_space<hbm>> -> memref<1024xf32, #tpu.memory_space<hbm>>
      tpu.enqueue_dma source(%arg6 : memref<1024xf32, #tpu.memory_space<vmem>>) target(%dma_start3A_14 : memref<1024xf32, #tpu.memory_space<hbm>>) target_semaphore(%run_scoped3A_11 : memref<!tpu.dma_semaphore, #tpu.memory_space<semaphore_mem>>)
      %dma_wait3A = tpu.memref_slice %arg3[%run_scoped3A, %mul3A_2] : memref<2x32768xf32, #tpu.memory_space<hbm>> -> memref<1x1024xf32, #tpu.memory_space<hbm>>
      %dma_wait3A_15 = tpu.memref_squeeze %dma_wait3A : memref<1x1024xf32, #tpu.memory_space<hbm>> -> memref<1024xf32, #tpu.memory_space<hbm>>
      %dma_wait3A_16 = tpu.memref_slice %arg3[%run_scoped3A, %mul3A_2] : memref<2x32768xf32, #tpu.memory_space<hbm>> -> memref<1x1024xf32, #tpu.memory_space<hbm>>
      %dma_wait3A_17 = tpu.memref_squeeze %dma_wait3A_16 : memref<1x1024xf32, #tpu.memory_space<hbm>> -> memref<1024xf32, #tpu.memory_space<hbm>>
      tpu.wait_dma2 semaphore(%run_scoped3A_11 : memref<!tpu.dma_semaphore, #tpu.memory_space<semaphore_mem>>) src(%arg6 : memref<1024xf32, #tpu.memory_space<vmem>>) dst(%dma_wait3A_17 : memref<1024xf32, #tpu.memory_space<hbm>>)
      tpu.yield
    }) : () -> ()
    %run_scoped3A_8 = arith.constant 1 : i32
    "tpu.region"() ({
      %run_scoped3A_11 = tpu.sem_alloc : memref<!tpu.dma_semaphore, #tpu.memory_space<semaphore_mem>>
      %dma_start3A = tpu.memref_slice %arg3[%run_scoped3A_8, %mul3A_2] : memref<2x32768xf32, #tpu.memory_space<hbm>> -> memref<1x1024xf32, #tpu.memory_space<hbm>>
      %dma_start3A_12 = tpu.memref_squeeze %dma_start3A : memref<1x1024xf32, #tpu.memory_space<hbm>> -> memref<1024xf32, #tpu.memory_space<hbm>>
      %dma_start3A_13 = tpu.memref_slice %arg3[%run_scoped3A_8, %mul3A_2] : memref<2x32768xf32, #tpu.memory_space<hbm>> -> memref<1x1024xf32, #tpu.memory_space<hbm>>
      %dma_start3A_14 = tpu.memref_squeeze %dma_start3A_13 : memref<1x1024xf32, #tpu.memory_space<hbm>> -> memref<1024xf32, #tpu.memory_space<hbm>>
      tpu.enqueue_dma source(%arg7 : memref<1024xf32, #tpu.memory_space<vmem>>) target(%dma_start3A_14 : memref<1024xf32, #tpu.memory_space<hbm>>) target_semaphore(%run_scoped3A_11 : memref<!tpu.dma_semaphore, #tpu.memory_space<semaphore_mem>>)
      %dma_wait3A = tpu.memref_slice %arg3[%run_scoped3A_8, %mul3A_2] : memref<2x32768xf32, #tpu.memory_space<hbm>> -> memref<1x1024xf32, #tpu.memory_space<hbm>>
      %dma_wait3A_15 = tpu.memref_squeeze %dma_wait3A : memref<1x1024xf32, #tpu.memory_space<hbm>> -> memref<1024xf32, #tpu.memory_space<hbm>>
      %dma_wait3A_16 = tpu.memref_slice %arg3[%run_scoped3A_8, %mul3A_2] : memref<2x32768xf32, #tpu.memory_space<hbm>> -> memref<1x1024xf32, #tpu.memory_space<hbm>>
      %dma_wait3A_17 = tpu.memref_squeeze %dma_wait3A_16 : memref<1x1024xf32, #tpu.memory_space<hbm>> -> memref<1024xf32, #tpu.memory_space<hbm>>
      tpu.wait_dma2 semaphore(%run_scoped3A_11 : memref<!tpu.dma_semaphore, #tpu.memory_space<semaphore_mem>>) src(%arg7 : memref<1024xf32, #tpu.memory_space<vmem>>) dst(%dma_wait3A_17 : memref<1024xf32, #tpu.memory_space<hbm>>)
      tpu.yield
    }) : () -> ()
    %run_scoped3A_9 = arith.constant 0 : i32
    "tpu.region"() ({
      %run_scoped3A_11 = tpu.sem_alloc : memref<!tpu.dma_semaphore, #tpu.memory_space<semaphore_mem>>
      %dma_start3A = tpu.memref_slice %arg4[%run_scoped3A_9, %mul3A_2] : memref<2x32768xi32, #tpu.memory_space<hbm>> -> memref<1x1024xi32, #tpu.memory_space<hbm>>
      %dma_start3A_12 = tpu.memref_squeeze %dma_start3A : memref<1x1024xi32, #tpu.memory_space<hbm>> -> memref<1024xi32, #tpu.memory_space<hbm>>
      %dma_start3A_13 = tpu.memref_slice %arg4[%run_scoped3A_9, %mul3A_2] : memref<2x32768xi32, #tpu.memory_space<hbm>> -> memref<1x1024xi32, #tpu.memory_space<hbm>>
      %dma_start3A_14 = tpu.memref_squeeze %dma_start3A_13 : memref<1x1024xi32, #tpu.memory_space<hbm>> -> memref<1024xi32, #tpu.memory_space<hbm>>
      tpu.enqueue_dma source(%arg8 : memref<1024xi32, #tpu.memory_space<vmem>>) target(%dma_start3A_14 : memref<1024xi32, #tpu.memory_space<hbm>>) target_semaphore(%run_scoped3A_11 : memref<!tpu.dma_semaphore, #tpu.memory_space<semaphore_mem>>)
      %dma_wait3A = tpu.memref_slice %arg4[%run_scoped3A_9, %mul3A_2] : memref<2x32768xi32, #tpu.memory_space<hbm>> -> memref<1x1024xi32, #tpu.memory_space<hbm>>
      %dma_wait3A_15 = tpu.memref_squeeze %dma_wait3A : memref<1x1024xi32, #tpu.memory_space<hbm>> -> memref<1024xi32, #tpu.memory_space<hbm>>
      %dma_wait3A_16 = tpu.memref_slice %arg4[%run_scoped3A_9, %mul3A_2] : memref<2x32768xi32, #tpu.memory_space<hbm>> -> memref<1x1024xi32, #tpu.memory_space<hbm>>
      %dma_wait3A_17 = tpu.memref_squeeze %dma_wait3A_16 : memref<1x1024xi32, #tpu.memory_space<hbm>> -> memref<1024xi32, #tpu.memory_space<hbm>>
      tpu.wait_dma2 semaphore(%run_scoped3A_11 : memref<!tpu.dma_semaphore, #tpu.memory_space<semaphore_mem>>) src(%arg8 : memref<1024xi32, #tpu.memory_space<vmem>>) dst(%dma_wait3A_17 : memref<1024xi32, #tpu.memory_space<hbm>>)
      tpu.yield
    }) : () -> ()
    %run_scoped3A_10 = arith.constant 1 : i32
    "tpu.region"() ({
      %run_scoped3A_11 = tpu.sem_alloc : memref<!tpu.dma_semaphore, #tpu.memory_space<semaphore_mem>>
      %dma_start3A = tpu.memref_slice %arg4[%run_scoped3A_10, %mul3A_2] : memref<2x32768xi32, #tpu.memory_space<hbm>> -> memref<1x1024xi32, #tpu.memory_space<hbm>>
      %dma_start3A_12 = tpu.memref_squeeze %dma_start3A : memref<1x1024xi32, #tpu.memory_space<hbm>> -> memref<1024xi32, #tpu.memory_space<hbm>>
      %dma_start3A_13 = tpu.memref_slice %arg4[%run_scoped3A_10, %mul3A_2] : memref<2x32768xi32, #tpu.memory_space<hbm>> -> memref<1x1024xi32, #tpu.memory_space<hbm>>
      %dma_start3A_14 = tpu.memref_squeeze %dma_start3A_13 : memref<1x1024xi32, #tpu.memory_space<hbm>> -> memref<1024xi32, #tpu.memory_space<hbm>>
      tpu.enqueue_dma source(%arg9 : memref<1024xi32, #tpu.memory_space<vmem>>) target(%dma_start3A_14 : memref<1024xi32, #tpu.memory_space<hbm>>) target_semaphore(%run_scoped3A_11 : memref<!tpu.dma_semaphore, #tpu.memory_space<semaphore_mem>>)
      %dma_wait3A = tpu.memref_slice %arg4[%run_scoped3A_10, %mul3A_2] : memref<2x32768xi32, #tpu.memory_space<hbm>> -> memref<1x1024xi32, #tpu.memory_space<hbm>>
      %dma_wait3A_15 = tpu.memref_squeeze %dma_wait3A : memref<1x1024xi32, #tpu.memory_space<hbm>> -> memref<1024xi32, #tpu.memory_space<hbm>>
      %dma_wait3A_16 = tpu.memref_slice %arg4[%run_scoped3A_10, %mul3A_2] : memref<2x32768xi32, #tpu.memory_space<hbm>> -> memref<1x1024xi32, #tpu.memory_space<hbm>>
      %dma_wait3A_17 = tpu.memref_squeeze %dma_wait3A_16 : memref<1x1024xi32, #tpu.memory_space<hbm>> -> memref<1024xi32, #tpu.memory_space<hbm>>
      tpu.wait_dma2 semaphore(%run_scoped3A_11 : memref<!tpu.dma_semaphore, #tpu.memory_space<semaphore_mem>>) src(%arg9 : memref<1024xi32, #tpu.memory_space<vmem>>) dst(%dma_wait3A_17 : memref<1024xi32, #tpu.memory_space<hbm>>)
      tpu.yield
    }) : () -> ()
    return
  }
}

module attributes {stable_mosaic.version = 14 : i64} {
  func.func @_scores_block(%arg0: i32, %arg1: memref<2048x768xf32, #tpu.memory_space<vmem>>, %arg2: memref<768x8xf32, #tpu.memory_space<vmem>>, %arg3: memref<8x2048xf32, #tpu.memory_space<vmem>>) attributes {dimension_semantics = [#tpu.dimension_semantics<arbitrary>], iteration_bounds = array<i64: 16>, scalar_prefetch = 0 : i64, scratch_operands = 0 : i64, tpu.core_type = #tpu.core_type<tc>, window_params = [{transform_indices = @transform_0, window_bounds = array<i64: 2048, 768>}, {pipeline_mode = #tpu.pipeline_mode<synchronous>, transform_indices = @transform_1, window_bounds = array<i64: 768, 8>}, {transform_indices = @transform_2, window_bounds = array<i64: 8, 2048>}]} {
    %get3A = arith.constant 0 : index
    %get3A_0 = arith.constant 0 : index
    %get3A_1 = vector.load %arg2[%get3A, %get3A_0] : memref<768x8xf32, #tpu.memory_space<vmem>>, vector<768x8xf32>
    %get3A_2 = arith.constant 0 : index
    %get3A_3 = arith.constant 0 : index
    %get3A_4 = vector.load %arg1[%get3A_2, %get3A_3] : memref<2048x768xf32, #tpu.memory_space<vmem>>, vector<2048x768xf32>
    %dot_general3A = arith.constant dense<0.000000e+00> : vector<8x2048xf32>
    %dot_general3A_5 = tpu.matmul %get3A_1, %get3A_4, %dot_general3A {dimension_numbers = #tpu.dot_dimension_numbers<[0], [1], [1], [0], [0, 1, 1, 0], [], []>, transpose_lhs_hint = false} : vector<768x8xf32>, vector<2048x768xf32>, vector<8x2048xf32> -> vector<8x2048xf32>
    %swap3A = arith.constant 0 : index
    %swap3A_6 = arith.constant 0 : index
    %swap3A_7 = vector.load %arg3[%swap3A, %swap3A_6] : memref<8x2048xf32, #tpu.memory_space<vmem>>, vector<8x2048xf32>
    tpu.vector_store %arg3[%swap3A, %swap3A_6], %dot_general3A_5 {strides = array<i32>} : memref<8x2048xf32, #tpu.memory_space<vmem>>, vector<8x2048xf32>,
    return
  }
  func.func @transform_0(%arg0: i32) -> (i32, i32) {
    %c0_i32 = arith.constant 0 : i32
    %c0_i32_0 = arith.constant 0 : i32
    return %arg0, %c0_i32 : i32, i32
  }
  func.func @transform_1(%arg0: i32) -> (i32, i32) {
    %c0_i32 = arith.constant 0 : i32
    %c0_i32_0 = arith.constant 0 : i32
    %c0_i32_1 = arith.constant 0 : i32
    return %c0_i32, %c0_i32_0 : i32, i32
  }
  func.func @transform_2(%arg0: i32) -> (i32, i32) {
    %c0_i32 = arith.constant 0 : i32
    %c0_i32_0 = arith.constant 0 : i32
    return %c0_i32, %arg0 : i32, i32
  }
}

</mosaic_0001>

<sc_bundles>
// kernel: kernel.4.cloned.1.call-start
scs
__scs_entry_jumppad:
0x0: {  	(pc) =	sbr.rel $0x88, $3  }
0x1: {  	(tag) =	ssettag $0x0;
	lr =	simm.s32 $0x1  }
0x2: {  	[smem:$0x3F9F] =	sst lr;
	_ =	strace $0xD0000000  }
0x3: {  	_ = 	snop  }
0x4: {  	_ = 	snop  }
0x5: {  	_ = 	snop  }
0x6: {  	_ = 	snop  }
0x7: {  	_ = 	snop  }
__scs_overlays_trampoline_lowered:
0x8: {  	[smem:$0x3FAE] =	sst s0  }
0x9: {  	[smem:$0x3FAF] =	sst s1  }
0xa: {  	[smem:$0x3FB0] =	sst s2  }
0xb: {  	[smem:$0x3FB1] =	sst s3  }
0xc: {  	[smem:$0x3FB2] =	sst s4  }
0xd: {  	[smem:$0x3FB3] =	sst s5  }
0xe: {  	[smem:$0x3FB4] =	sst s6  }
0xf: {  	[smem:$0x3FB5] =	sst s7  }
0x10: {  	[smem:$0x3FB6] =	sst s8  }
0x11: {  	[smem:$0x3FB7] =	sst s9;
	s0 =	simm.s32 @!p0 $0x0  }
0x12: {  	s1 =	sld [smem:$0x3F9D];
	s0 =	simm.s32 @p0 $0x1  }
0x13: {  	[smem:$0x3FB8] =	sst s0;
	s0 =	simm.s32 @!p1 $0x0  }
0x14: {  	s2 =	sld [smem:$0x3F9C];
	s0 =	simm.s32 @p1 $0x1  }
0x15: {  	[smem:$0x3FB9] =	sst s0;
	s0 =	simm.s32 @!p2 $0x0  }
0x16: {  	s3 =	sld [smem:$0x3FDB];
	s0 =	simm.s32 @p2 $0x1  }
0x17: {  	s4 =	simm.s32 $0x1BF5;
	[smem:$0x3FBB] =	sst s0  }
0x18: {  	s0 =	sld [smem:$0x3F9E];
	_ =	swait.ge [sflag:s4], $0x0  }
0x19: {  	s7 =	sld [smem:$0x3F9F]  }
0x1a: {  	s8 =	sadd.s32 $0xFFFFE003, lr  }
0x1b: {  	s9 =	sadd.s32 $0xFFFFFEF7, lr;
	s5 =	simm.s32 $0xFFFFFFFF;
	p2 =	slt.u32 s8, $0xFFFFF086  }
0x1c: {  	p1 =	slt.u32 s9, $0xF7A;
	s5 =	simm.s32 @!p2 $0x0  }
0x1d: {  	s5 =	simm.s32 @p1 $0x1;
	p0 =	seq.s32 s7, s2  }
0x1e: {  	s7 =	smul.u32 @!p0 $0xF7A, s2;
	p2 =	seq.s32 @!p0 s5, $0x0  }
0x1f: {  	s9 =	smul.u32 $0xF7A, s1;
	s8 =	simm.s32 @!p0 $0x1BF5;
	p2 =	por !p2, p0  }
0x20: {  	[sflag:s8] =	ssyncset.s32 @!p0 $0xFFFFF086;
	s6 =	sadd.s32 @!p0 s3, s7;
	s7 =	simm.s32 @!p0 $0x108  }
0x21: {  	s3 =	sadd.s32 s3, s9;
	s6 =	sadd.s32 @!p0 $0x88, s6;
	s7 =	simm.s32 @p2 $0x1082  }
0x22: {  	[simem:s7], [sflag:s8] =	dma.local @!p0 [hbm:s6], $0xF7A  }
0x23: {  	s9 =	sor.u32 $0xD0000000, s2;
	s6 =	simm.s32 $0x108;
	_ =	swait.ge @!p0 [sflag:s8], $0x0  }
0x24: {  	s3 =	sadd.s32 $0x88, s3;
	s6 =	simm.s32 @!p1 $0x1082;
	[sflag:s4] =	ssyncset.s32 $0xFFFFF086  }
0x25: {  	[simem:s6], [sflag:s4] =	dma.local [hbm:s3], $0xF7A  }
0x26: {  	[smem:$0x3F9F] =	sst s1;
	(tag) =	ssettag s2;
	_ =	strace s9  }
0x27: {  	s1 =	sld [smem:$0x3FAF]  }
0x28: {  	s2 =	sld [smem:$0x3FB0]  }
0x29: {  	s4 =	sld [smem:$0x3FB2]  }
0x2a: {  	p0 =	seq.s32 s5, $0x0;
	s5 =	sld [smem:$0x3FB3]  }
0x2b: {  	s6 =	sld [smem:$0x3FB4]  }
0x2c: {  	s7 =	sld [smem:$0x3FB5]  }
0x2d: {  	s3 =	simm.s32 $0x108;
	s8 =	sld [smem:$0x3FB6]  }
0x2e: {  	s3 =	simm.s32 @!p0 $0x1082;
	s9 =	sld [smem:$0x3FB7]  }
0x2f: {  	lr =	sadd.s32 s0, s3;
	s0 =	sld [smem:$0x3FAE]  }
0x30: {  	s3 =	sld [smem:$0x3FB1]  }
0x31: {  	[smem:$0x3FBA] =	sst s10  }
0x32: {  	s10 =	sld [smem:$0x3FB8];
	_ =	sdelay $0x3  }
0x33: {  	p0 =	seq.s32 s10, $0x1;
	s10 =	sld [smem:$0x3FBA];
	_ =	sdelay $0x3  }
0x34: {  	[smem:$0x3FBA] =	sst s10  }
0x35: {  	s10 =	sld [smem:$0x3FB9];
	_ =	sdelay $0x3  }
0x36: {  	p1 =	seq.s32 s10, $0x1;
	s10 =	sld [smem:$0x3FBA];
	_ =	sdelay $0x3  }
0x37: {  	[smem:$0x3FBA] =	sst s10  }
0x38: {  	s10 =	sld [smem:$0x3FBB]  }
0x39: {  	_ = 	snop;
	(pc) =	sbr.ind lr, $3  }
0x3a: {  	_ = 	snop  }
0x3b: {  	_ = 	snop  }
0x3c: {  	p2 =	seq.s32 s10, $0x1;
	s10 =	sld [smem:$0x3FBA]  }
0x3d: {  	_ =	shalt  }
0x3e: {  	_ =	shalt  }
0x3f: {  	_ =	shalt  }
0x40: {  	_ =	shalt  }
0x41: {  	_ =	shalt  }
0x42: {  	_ =	shalt  }
0x43: {  	_ =	shalt  }
0x44: {  	_ =	shalt  }
0x45: {  	_ =	shalt  }
0x46: {  	_ =	shalt  }
0x47: {  	_ =	shalt  }
0x48: {  	_ =	shalt  }
0x49: {  	_ =	shalt  }
0x4a: {  	_ =	shalt  }
0x4b: {  	_ =	shalt  }
0x4c: {  	_ =	shalt  }
0x4d: {  	_ =	shalt  }
0x4e: {  	_ =	shalt  }
0x4f: {  	_ =	shalt  }
0x50: {  	_ =	shalt  }
0x51: {  	_ =	shalt  }
0x52: {  	_ =	shalt  }
0x53: {  	_ =	shalt  }
0x54: {  	_ =	shalt  }
0x55: {  	_ =	shalt  }
0x56: {  	_ =	shalt  }
0x57: {  	_ =	shalt  }
0x58: {  	_ =	shalt  }
0x59: {  	_ =	shalt  }
0x5a: {  	_ =	shalt  }
0x5b: {  	_ =	shalt  }
0x5c: {  	_ =	shalt  }
0x5d: {  	_ =	shalt  }
0x5e: {  	_ =	shalt  }
0x5f: {  	_ =	shalt  }
0x60: {  	_ =	shalt  }
0x61: {  	_ =	shalt  }
0x62: {  	_ =	shalt  }
0x63: {  	_ =	shalt  }
0x64: {  	_ =	shalt  }
0x65: {  	_ =	shalt  }
0x66: {  	_ =	shalt  }
0x67: {  	_ =	shalt  }
0x68: {  	_ =	shalt  }
0x69: {  	_ =	shalt  }
0x6a: {  	_ =	shalt  }
0x6b: {  	_ =	shalt  }
0x6c: {  	_ =	shalt  }
0x6d: {  	_ =	shalt  }
0x6e: {  	_ =	shalt  }
0x6f: {  	_ =	shalt  }
0x70: {  	_ =	shalt  }
0x71: {  	_ =	shalt  }
0x72: {  	_ =	shalt  }
0x73: {  	_ =	shalt  }
0x74: {  	_ =	shalt  }
0x75: {  	_ =	shalt  }
0x76: {  	_ =	shalt  }
0x77: {  	_ =	shalt  }
0x78: {  	_ =	shalt  }
0x79: {  	_ =	shalt  }
0x7a: {  	_ =	shalt  }
0x7b: {  	_ =	shalt  }
0x7c: {  	_ =	shalt  }
0x7d: {  	_ =	shalt  }
0x7e: {  	_ =	shalt  }
0x7f: {  	_ =	shalt  }
0x80: {  	_ =	shalt  }
0x81: {  	_ =	shalt  }
0x82: {  	_ =	shalt  }
0x83: {  	_ =	shalt  }
0x84: {  	_ =	shalt  }
0x85: {  	_ =	shalt  }
0x86: {  	_ =	shalt  }
0x87: {  	_ =	shalt  }
.Lfunc_end0:
.L_simem_size_0:
called_computation_lowered:
.L_overlay_start_0:
0x88: {  	s2 =	sld [smem:$0x3FD9]  }
0x89: {  	s3 =	sld [smem:$0x3FFE];
	_ =	sdelay $0x1  }
0x8a: {  	s1 =	srdreg.scid  }
0x8b: {  	s0 =	sand.u32 $0x1, s1  }
0x8c: {  	s14 =	sshll.u32 s0, $0xA;
	s2 =	sadd.s32 s3, s2  }
0x8d: {  	s2 =	sadd.s32 s2, s14  }
0x8e: {  	[smem:$0x3FC6] =	sst s2  }
0x8f: {  	_ = 	snop  }
0x90: {  	s2 =	sld [smem:$0x3FD0];
	_ =	sdelay $0x2  }
0x91: {  	s15 =	simm.s32 $0xA;
	s4 =	simm.s32 $0x10  }
0x92: {  	[smem:s4], [sflag:s15] =	dma.local [hbm:s2], $0x1  }
0x93: {  	_ =	swait.eq [sflag:s15], $0x1  }
0x94: {  	[sflag:s15] =	ssyncset.done $0x0  }
0x95: {  	s16 =	sld [smem:$0x10];
	[sflag:s15] =	ssyncadd.s32 $0xFFFFFFFF  }
0x96: {  	s17 =	sld [smem:$0x11];
	(tm) =	ssettm $0x1  }
0x97: {  	s18 =	sld [smem:$0x3FFB];
	_ =	sdelay $0x3  }
0x98: {  	_ =	strace s18  }
0x99: {  	s4 =	sld [smem:$0x3FFC];
	_ =	sdelay $0x3  }
0x9a: {  	_ =	strace s4  }
0x9b: {  	s4 =	sld [smem:$0x3FFD];
	_ =	sdelay $0x3  }
0x9c: {  	_ =	strace s4  }
0x9d: {  	_ =	strace $0x8FFFFFFF  }
0x9e: {  	s19 =	sld [smem:$0x3FDB];
	_ =	sdelay $0x1  }
0x9f: {  	s5 =	simm.s32 $_scs_section_size  }
0xa0: {  	s6 =	simm.s32 $_size__tile_overlayer_lowered;
	s7 =	simm.s32 $_tile_overlayer_lowered  }
0xa1: {  	s22 =	simm.s32 $0x1BFF;
	s21 =	sshll.u32 s7, $0x1;
	s4 =	sadd.s32 s5, s19  }
0xa2: {  	s8 =	simm.s32 $0x0;
	s20 =	sshll.u32 s6, $0x1;
	s6 =	sadd.s32 s21, s4  }
0xa3: {  	[timem:s8], [sflag:s22] =	dma.local [hbm:s6], s20  }
0xa4: {  	_ =	swait.ge [sflag:s22], s20  }
0xa5: {  	s5 =	ssub.s32 $0x0, s20;
	[sflag:s22] =	ssyncset.done $0x0  }
0xa6: {  	[sflag:s22] =	ssyncadd.s32 s5;
	_ =	sdelay $0x1  }
0xa7: {  	s23 =	simm.s32 $0x1B8B  }
0xa8: {  	_ =	swait.ge [sflag:s23], $0x1  }
0xa9: {  	[sflag:s23] =	ssyncset.done $0x0  }
0xaa: {  	s25 =	simm.s32 $0x1B8E;
	s24 =	sld [smem:$0x3FFE];
	[sflag:s23] =	ssyncadd.s32 $0xFFFFFFFF  }
0xab: {  	s26 =	simm.s32 $execute0_lowered;
	[smem:$0x3FD2] =	sst s25  }
0xac: {  	s6 =	sshll.u32 s26, $0x1;
	_ =	strace $0x80000046;
	[dreg:$0x1] =	wrdreg $0xFFFFFFFF  }
0xad: {  	s28 =	simm.s32 $_size_execute0_lowered;
	s4 =	sadd.s32 s4, s6;
	[dreg:$0x0] =	wrdreg $0x0  }
0xae: {  	s6 =	sshll.u32 s28, $0x1;
	[dreg:$0x2] =	wrdreg s4  }
0xaf: {  	[dreg:$0x3] =	wrdreg s6  }
0xb0: {  	[dreg:$0x4] =	wrdreg $0xC0  }
0xb1: {  	_ =	task [dreg:s8], $0x5FFFF  }
0xb2: {  	[dreg:$0x1] =	wrdreg $0xFFFFFFFF  }
0xb3: {  	[dreg:$0x0] =	wrdreg $0x60  }
0xb4: {  	[dreg:$0x2] =	wrdreg s24  }
0xb5: {  	[dreg:$0x3] =	wrdreg s16  }
0xb6: {  	[dreg:$0x4] =	wrdreg s17  }
0xb7: {  	[dreg:$0x5] =	wrdreg $0x9  }
0xb8: {  	_ =	task.clear_ibuf [dreg:s8], $0x6FFFF;
	_ =	strace $0x90000046  }
0xb9: {  	s29 =	simm.s32 $0x9;
	_ =	strace $0x80000048  }
0xba: {  	_ =	swait.ge [sflag:s29], $0x1  }
0xbb: {  	[sflag:s29] =	ssyncadd.s32 $0xFFFFFFFF  }
0xbc: {  	_ =	strace $0x90000048  }
0xbd: {  	_ =	sfence  }
0xbe: {  	s30 =	sld [smem:$0x0];
	_ =	sdelay $0x2  }
0xbf: {  	s31 =	sshll.u32 s1, $0xD;
	s1 =	sshrl.u32 s1, $0x2  }
0xc0: {  	s3 =	sand.u32 $0x4000, s31;
	s1 =	sadd.s32 s1, s30  }
0xc1: {  	s0 =	sor.u32 s3, s0;
	s1 =	sshll.u32 s1, $0x11  }
0xc2: {  	s0 =	sor.u32 s1, s0  }
0xc3: {  	s0 =	sadd.s32 $0x8F2B, s0  }
0xc4: {  	[sflag:s0] =	ssyncadd.remote.s32 $0x1  }
0xc5: {  	_ =	sfence.sel $0xFFFF  }
0xc6: {  	[dreg:$0x0] =	wrdreg $0xFFFFFFFF;
	(pc) =	sbr.abs _section_cstart, $3  }
0xc7: {  	[dreg:$0x1] =	wrdreg $0xFFFFFFFF  }
0xc8: {  	_ =	task.clear_ibuf [dreg:s8], $0x2FFFF;
	_ =	strace $0x9FFFFFFF  }
0xc9: {  	(tm) =	ssettm $0x7FFFFFFF  }
tec
execute0_lowered:
.L_overlay_start_1:
0x0: {  	(tag) =	ssettag $0x1  }
0x1: {  	s3 =	rddreg [dreg:$0x0]  }
0x2: {  	s5 =	rddreg [dreg:$0x1]  }
0x3: {  	s7 =	rddreg [dreg:$0x2]  }
0x4: {  	s0 =	rddreg [dreg:$0x3];
	s2 =	simm.s32 $0x0;
	s4 =	srdreg.scid  }
0x5: {  	s1 =	stileid.u32;
	s10 =	simm.s32 $0x80;
	s11 =	simm.s32 $0x100  }
0x6: {  	s12 =	simm.s32 $0x2000;
	s13 =	simm.s32 $0x2400;
	s14 =	simm.s32 $0x2800  }
0x7: {  	s15 =	simm.s32 $0x2C00;
	s16 =	simm.s32 $0x0;
	s4 =	sand.u32 $0x1, s4  }
0x8: {  	[smem:$0x7FF] =	sst s2;
	s6 =	sshll.u32 s1, $0xB;
	s8 =	sshll.u32 s4, $0xA  }
0x9: {  	s4 =	ssub.s32 $0x2, s4;
	_ =	strace $0x80000047;
	s6 =	sor.u32 s8, s6  }
0xa: {  	s31 =	sshrl.u32 s4, $0x1;
	s3 =	sadd.s32 s6, s3;
	s6 =	sshrl.u32 s6, $0x2  }
0xb: {  	s8 =	ssub.s32 s4, s31;
	s3 =	sadd.s32 $0xA00, s3;
	s4 =	sadd.s32 s5, s6  }
0xc: {  	s9 =	sor.u32 $0x10, s6;
	s6 =	sadd.s32 s7, s6;
	s8 =	smax.u32 s8, $0x1  }
0xd: {  	v0 =	vimm.s32 $0x0;
	s5 =	sadd.s32 s5, s9;
	s7 =	sadd.s32 s7, s9;
	s9 =	simm.s32 $0x1  }
.LBB2_1:
0xe: {  	[tilespmem:s2], [sflag:$0x1] =	stream.linear.gather [hbm4b:s3+s2], $0x2000, $0x38;
	[tilespmem:$0x3000] =	vst v63  }
0xf: {  	_ =	swait.ge [sflag:s9], $0x2000  }
0x10: {  	s17 =	sand.u32 $0x70, s2;
	s18 =	sand.u32 $0x1C00, s2;
	[sflag:s9] =	ssyncset.done $0x0  }
0x11: {  	s17 =	sor.u32 s17, s18;
	[sflag:s9] =	ssyncadd.s32 $0xFFFFE000  }
0x12: {  	v1 =	vld [tilespmem:s17+$0x80]  }
0x13: {  	v2 =	vld [tilespmem:s17+$0x0];
	_ =	sdelay $0x2  }
0x14: {  	v3 =	vld [tilespmem:s17+$0x100]  }
0x15: {  	vm1 =	vlt.f32 v1, $-Inf;
	vm2 =	vgt.f32 v1, $-Inf  }
0x16: {  	vm0 =	vgt.f32 v1, v2;
	vm1 =	vmor vm2, vm1  }
0x17: {  	v5 =	vld [tilespmem:s17+$0x180];
	vm2 =	vmneg vm0;
	v4 =	vnsel vm1, $0xFF800000, v1  }
0x18: {  	v4 =	vsel vm2, v4, v2  }
0x19: {  	v1 =	vsel vm2, v2, v1;
	vm4 =	vgt.f32 v3, v4  }
0x1a: {  	v59 =	vld [tilespmem:s17+$0x200];
	vm3 =	vgt.f32 v3, v1;
	v2 =	vsel vm4, v3, v4  }
0x1b: {  	v2 =	vsel vm3, v1, v2  }
0x1c: {  	v1 =	vsel vm3, v3, v1;
	vm7 =	vgt.f32 v5, v2  }
0x1d: {  	v3 =	vld [tilespmem:s17+$0x280];
	vm5 =	vgt.f32 v5, v1;
	v2 =	vsel vm7, v5, v2  }
0x1e: {  	v2 =	vsel vm5, v1, v2  }
0x1f: {  	v1 =	vsel vm5, v5, v1;
	vm9 =	vgt.f32 v59, v2  }
0x20: {  	v60 =	vld [tilespmem:s17+$0x300];
	vm8 =	vgt.f32 v59, v1;
	v2 =	vsel vm9, v59, v2  }
0x21: {  	v2 =	vsel vm8, v1, v2  }
0x22: {  	v1 =	vsel vm8, v59, v1;
	vm13 =	vgt.f32 v3, v2  }
0x23: {  	v61 =	vld [tilespmem:s17+$0x380];
	vm10 =	vgt.f32 v3, v1;
	v2 =	vsel vm13, v3, v2  }
0x24: {  	v2 =	vsel vm10, v1, v2  }
0x25: {  	v1 =	vsel vm10, v3, v1;
	vm14 =	vgt.f32 v60, v2  }
0x26: {  	vm11 =	vgt.f32 v60, v1;
	v2 =	vsel vm14, v60, v2  }
0x27: {  	v2 =	vsel vm11, v1, v2  }
0x28: {  	v1 =	vsel vm11, v60, v1;
	vm12 =	vgt.f32 v61, v2  }
0x29: {  	vm6 =	vgt.f32 v61, v1;
	v2 =	vsel vm12, v61, v2  }
0x2a: {  	v2 =	vsel vm6, v1, v2;
	v1 =	vsel vm6, v61, v1  }
0x2b: {  	v1 =	vsub.f32 v2, v1;
	_ =	sdelay $0x1  }
0x2c: {  	v1 =	vmul.f32 $1.442695020e+00, v1;
	_ =	sdelay $0x1  }
0x2d: {  	(erf) = vpow2.f32 v1;
	_ =	sdelay $0x8  }
0x2e: {  	v1 =	vpop (erf)  }
0x2f: {  	v2 =	vadd.f32 $1.000000000e+00, v1;
	_ =	sdelay $0x1  }
0x30: {  	vm1 =	vmand vm2, vm1;
	(erf) = vrcp.f32 v2  }
0x31: {  	v2 =	vsel vm1, $0x1, v0  }
0x32: {  	v3 =	vsel vm0, $0x1, v0;
	v2 =	vsel vm4, $0x2, v2  }
0x33: {  	v2 =	vsel vm3, v3, v2  }
0x34: {  	v3 =	vsel vm3, $0x2, v3;
	v2 =	vsel vm7, $0x3, v2  }
0x35: {  	v2 =	vsel vm5, v3, v2  }
0x36: {  	v3 =	vsel vm5, $0x3, v3;
	v2 =	vsel vm9, $0x4, v2  }
0x37: {  	v2 =	vsel vm8, v3, v2  }
0x38: {  	v3 =	vsel vm8, $0x4, v3;
	v2 =	vsel vm13, $0x5, v2  }
0x39: {  	v2 =	vsel vm10, v3, v2;
	v62 =	vpop (erf)  }
0x3a: {  	s19 =	simm.s32 $0x10;
	v3 =	vsel vm10, $0x5, v3;
	v2 =	vsel vm14, $0x6, v2;
	v1 =	vmul.f32 v62, v1  }
0x3b: {  	s28 =	simm.s32 $0x20;
	s21 =	simm.s32 $0x80;
	s22 =	simm.s32 $0x2C00;
	v2 =	vsel vm11, v3, v2;
	v3 =	vsel vm11, $0x6, v3;
	[tilespmem:s12+$0x0] =	vst v62  }
0x3c: {  	s20 =	simm.s32 $0x2000;
	s18 =	simm.s32 $0x2C10;
	s24 =	sand.u32 $0x70, s19;
	v2 =	vsel vm12, $0x7, v2;
	v63 =	vsel vm6, $0x7, v3;
	[tilespmem:s13+$0x0] =	vst v1  }
0x3d: {  	s26 =	sand.u32 $0x1C00, s21;
	s19 =	simm.s32 $0x2410;
	s17 =	simm.s32 $0x2810;
	v1 =	vsel vm6, v3, v2;
	[tilespmem:s14+$0x0] =	vst v63  }
.LBB2_2:
0x3e: {  	s26 =	sor.u32 s24, s26;
	s20 =	sadd.s32 $0x10, s20;
	s24 =	smov.u32 s28  }
0x3f: {  	[tilespmem:s22+$0x0] =	vst v1;
	s23 =	sadd.s32 $0x10, s28;
	s25 =	smov.u32 s17;
	s22 =	smov.u32 s18  }
0x40: {  	p0 =	sne.s32 s28, $0x3F0;
	v1 =	vld [tilespmem:s26+$0x80]  }
0x41: {  	v2 =	vld [tilespmem:s26+$0x0];
	_ =	sdelay $0x2  }
0x42: {  	v3 =	vld [tilespmem:s26+$0x100]  }
0x43: {  	vm0 =	vlt.f32 v1, $-Inf;
	vm1 =	vgt.f32 v1, $-Inf  }
0x44: {  	vm2 =	vgt.f32 v1, v2;
	vm0 =	vmor vm1, vm0  }
0x45: {  	vm1 =	vmneg vm2;
	v4 =	vnsel vm0, $0xFF800000, v1;
	v5 =	vld [tilespmem:s26+$0x180]  }
0x46: {  	v4 =	vsel vm1, v4, v2;
	vm0 =	vmand vm1, vm0;
	v1 =	vsel vm1, v2, v1  }
0x47: {  	v2 =	vsel vm0, $0x1, v0;
	vm0 =	vgt.f32 v3, v4  }
0x48: {  	vm1 =	vgt.f32 v3, v1;
	v4 =	vsel vm0, v3, v4;
	v2 =	vsel vm0, $0x2, v2;
	v6 =	vld [tilespmem:s26+$0x200]  }
0x49: {  	v7 =	vsel vm2, $0x1, v0;
	v4 =	vsel vm1, v1, v4;
	v1 =	vsel vm1, v3, v1  }
0x4a: {  	v2 =	vsel vm1, v7, v2;
	v3 =	vsel vm1, $0x2, v7;
	vm0 =	vgt.f32 v5, v4  }
0x4b: {  	vm1 =	vgt.f32 v5, v1;
	v4 =	vsel vm0, v5, v4;
	v2 =	vsel vm0, $0x3, v2;
	v7 =	vld [tilespmem:s26+$0x280]  }
0x4c: {  	v4 =	vsel vm1, v1, v4;
	v2 =	vsel vm1, v3, v2;
	v3 =	vsel vm1, $0x3, v3  }
0x4d: {  	v1 =	vsel vm1, v5, v1;
	vm0 =	vgt.f32 v6, v4  }
0x4e: {  	vm1 =	vgt.f32 v6, v1;
	v4 =	vsel vm0, v6, v4;
	v2 =	vsel vm0, $0x4, v2;
	v5 =	vld [tilespmem:s26+$0x300]  }
0x4f: {  	v4 =	vsel vm1, v1, v4;
	v2 =	vsel vm1, v3, v2  }
0x50: {  	v1 =	vsel vm1, v6, v1;
	v3 =	vsel vm1, $0x4, v3;
	vm0 =	vgt.f32 v7, v4  }
0x51: {  	vm1 =	vgt.f32 v7, v1;
	v4 =	vsel vm0, v7, v4;
	v2 =	vsel vm0, $0x5, v2;
	v6 =	vld [tilespmem:s26+$0x380]  }
0x52: {  	v4 =	vsel vm1, v1, v4;
	v2 =	vsel vm1, v3, v2;
	v1 =	vsel vm1, v7, v1  }
0x53: {  	v3 =	vsel vm1, $0x5, v3;
	vm0 =	vgt.f32 v5, v4  }
0x54: {  	vm1 =	vgt.f32 v5, v1;
	v4 =	vsel vm0, v5, v4;
	v2 =	vsel vm0, $0x6, v2  }
0x55: {  	v5 =	vsel vm1, v5, v1;
	v4 =	vsel vm1, v1, v4;
	v2 =	vsel vm1, v3, v2  }
0x56: {  	v3 =	vsel vm1, $0x6, v3;
	vm1 =	vgt.f32 v6, v4  }
0x57: {  	vm0 =	vgt.f32 v6, v5;
	v1 =	vsel vm1, v6, v4;
	v2 =	vsel vm1, $0x7, v2  }
0x58: {  	v4 =	vsel vm0, v5, v1;
	v1 =	vsel vm0, v3, v2;
	v2 =	vsel vm0, v6, v5  }
0x59: {  	v2 =	vsub.f32 v4, v2;
	_ =	sdelay $0x1  }
0x5a: {  	v2 =	vmul.f32 $1.442695020e+00, v2;
	_ =	sdelay $0x1  }
0x5b: {  	(erf) = vpow2.f32 v2;
	_ =	sdelay $0x8  }
0x5c: {  	v2 =	vpop (erf)  }
0x5d: {  	v4 =	vadd.f32 $1.000000000e+00, v2;
	_ =	sdelay $0x1  }
0x5e: {  	(erf) = vrcp.f32 v4;
	_ =	sdelay $0x8  }
.Ltmp0:
0x5f: {  	v4 =	vpop (erf);
	(pc) =	sbr.rel @p0 .LBB2_2-.Ltmp0, $4  }
0x60: {  	[tilespmem:s20+$0x0] =	vst v4;
	v2 =	vmul.f32 v4, v2  }
0x61: {  	s21 =	sadd.s32 $0x80, s21  }
0x62: {  	s17 =	sadd.s32 $0x10, s17;
	s18 =	sadd.s32 $0x10, s18;
	s24 =	sand.u32 $0x70, s24;
	v3 =	vsel vm0, $0x7, v3;
	[tilespmem:s19+$0x0] =	vst v2  }
0x63: {  	s28 =	smov.u32 s23;
	s26 =	sand.u32 $0x1C00, s21;
	s19 =	sadd.s32 $0x10, s19;
	[tilespmem:s25+$0x0] =	vst v3  }
0x64: {  	s21 =	sor.u32 s24, s26;
	[tilespmem:s22+$0x0] =	vst v1  }
0x65: {  	v1 =	vld [tilespmem:s21+$0x80]  }
0x66: {  	v2 =	vld [tilespmem:s21+$0x0];
	_ =	sdelay $0x2  }
0x67: {  	v3 =	vld [tilespmem:s21+$0x100]  }
0x68: {  	vm1 =	vlt.f32 v1, $-Inf;
	vm2 =	vgt.f32 v1, $-Inf  }
0x69: {  	vm0 =	vgt.f32 v1, v2;
	vm1 =	vmor vm2, vm1  }
0x6a: {  	v5 =	vld [tilespmem:s21+$0x180];
	vm2 =	vmneg vm0;
	v4 =	vnsel vm1, $0xFF800000, v1  }
0x6b: {  	v4 =	vsel vm2, v4, v2  }
0x6c: {  	v1 =	vsel vm2, v2, v1;
	vm4 =	vgt.f32 v3, v4  }
0x6d: {  	v59 =	vld [tilespmem:s21+$0x200];
	vm3 =	vgt.f32 v3, v1;
	v2 =	vsel vm4, v3, v4  }
0x6e: {  	v2 =	vsel vm3, v1, v2  }
0x6f: {  	v1 =	vsel vm3, v3, v1;
	vm6 =	vgt.f32 v5, v2  }
0x70: {  	v3 =	vld [tilespmem:s21+$0x280];
	vm5 =	vgt.f32 v5, v1;
	v2 =	vsel vm6, v5, v2  }
0x71: {  	v2 =	vsel vm5, v1, v2  }
0x72: {  	v1 =	vsel vm5, v5, v1;
	vm8 =	vgt.f32 v59, v2  }
0x73: {  	v60 =	vld [tilespmem:s21+$0x300];
	vm7 =	vgt.f32 v59, v1;
	v2 =	vsel vm8, v59, v2  }
0x74: {  	v2 =	vsel vm7, v1, v2  }
0x75: {  	v1 =	vsel vm7, v59, v1;
	vm12 =	vgt.f32 v3, v2  }
0x76: {  	v61 =	vld [tilespmem:s21+$0x380];
	vm9 =	vgt.f32 v3, v1;
	v2 =	vsel vm12, v3, v2  }
0x77: {  	v2 =	vsel vm9, v1, v2  }
0x78: {  	v1 =	vsel vm9, v3, v1;
	vm14 =	vgt.f32 v60, v2  }
0x79: {  	vm10 =	vgt.f32 v60, v1;
	v2 =	vsel vm14, v60, v2  }
0x7a: {  	v2 =	vsel vm10, v1, v2  }
0x7b: {  	v1 =	vsel vm10, v60, v1;
	vm13 =	vgt.f32 v61, v2  }
0x7c: {  	vm11 =	vgt.f32 v61, v1;
	v2 =	vsel vm13, v61, v2  }
0x7d: {  	v2 =	vsel vm11, v1, v2;
	v1 =	vsel vm11, v61, v1  }
0x7e: {  	v1 =	vsub.f32 v2, v1;
	_ =	sdelay $0x1  }
0x7f: {  	v1 =	vmul.f32 $1.442695020e+00, v1;
	_ =	sdelay $0x1  }
0x80: {  	(erf) = vpow2.f32 v1;
	_ =	sdelay $0x8  }
0x81: {  	v1 =	vpop (erf)  }
0x82: {  	v2 =	vadd.f32 $1.000000000e+00, v1;
	_ =	sdelay $0x1  }
0x83: {  	vm1 =	vmand vm2, vm1;
	(erf) = vrcp.f32 v2  }
0x84: {  	v2 =	vsel vm1, $0x1, v0  }
0x85: {  	v3 =	vsel vm0, $0x1, v0;
	v2 =	vsel vm4, $0x2, v2  }
0x86: {  	v2 =	vsel vm3, v3, v2  }
0x87: {  	v3 =	vsel vm3, $0x2, v3;
	v2 =	vsel vm6, $0x3, v2  }
0x88: {  	v2 =	vsel vm5, v3, v2  }
0x89: {  	v3 =	vsel vm5, $0x3, v3;
	v2 =	vsel vm8, $0x4, v2  }
0x8a: {  	v2 =	vsel vm7, v3, v2  }
0x8b: {  	v3 =	vsel vm7, $0x4, v3;
	v2 =	vsel vm12, $0x5, v2  }
0x8c: {  	v2 =	vsel vm9, v3, v2;
	v62 =	vpop (erf)  }
0x8d: {  	s20 =	sadd.s32 $0x10, s20;
	v3 =	vsel vm9, $0x5, v3;
	v2 =	vsel vm14, $0x6, v2;
	v1 =	vmul.f32 v62, v1  }
0x8e: {  	v2 =	vsel vm10, v3, v2;
	v3 =	vsel vm10, $0x6, v3;
	[tilespmem:s20+$0x0] =	vst v62  }
0x8f: {  	v2 =	vsel vm13, $0x7, v2;
	v63 =	vsel vm11, $0x7, v3;
	[tilespmem:s19+$0x0] =	vst v1  }
0x90: {  	v1 =	vsel vm11, v3, v2;
	[tilespmem:s17+$0x0] =	vst v63  }
0x91: {  	[tilespmem:s18+$0x0] =	vst v1  }
0x92: {  	[hbm4b:s4+s10] =	stream.strided.scatter [tilespmem:s12], [sflag:$0x1], $0x400, s11, s10, $0x38;
	[tilespmem:$0x3000] =	vst v63  }
0x93: {  	_ =	swait.ge [sflag:s9], $0x400  }
0x94: {  	[sflag:s9] =	ssyncset.done $0x0  }
0x95: {  	[sflag:s9] =	ssyncadd.s32 $0xFFFFFC00  }
0x96: {  	[hbm4b:s5+s10] =	stream.strided.scatter [tilespmem:s13], [sflag:$0x1], $0x400, s11, s10, $0x38;
	[tilespmem:$0x3000] =	vst v63  }
0x97: {  	_ =	swait.ge [sflag:s9], $0x400  }
0x98: {  	[sflag:s9] =	ssyncset.done $0x0  }
0x99: {  	[sflag:s9] =	ssyncadd.s32 $0xFFFFFC00  }
0x9a: {  	[hbm4b:s6+s10] =	stream.strided.scatter [tilespmem:s14], [sflag:$0x1], $0x400, s11, s10, $0x38;
	[tilespmem:$0x3000] =	vst v63  }
0x9b: {  	s16 =	sadd.s32 $0x1, s16;
	_ =	swait.ge [sflag:s9], $0x400  }
0x9c: {  	p0 =	sne.s32 s16, s8;
	[sflag:s9] =	ssyncset.done $0x0  }
.Ltmp1:
0x9d: {  	[sflag:s9] =	ssyncadd.s32 $0xFFFFFC00;
	(pc) =	sbr.rel @p0 .LBB2_1-.Ltmp1, $4  }
0x9e: {  	[hbm4b:s7+s10] =	stream.strided.scatter [tilespmem:s15], [sflag:$0x1], $0x400, s11, s10, $0x38;
	[tilespmem:$0x3000] =	vst v63  }
0x9f: {  	_ =	swait.ge [sflag:s9], $0x400  }
0xa0: {  	[sflag:s9] =	ssyncset.done $0x0  }
0xa1: {  	[sflag:s9] =	ssyncadd.s32 $0xFFFFFC00  }
0xa2: {  	_ =	sfence.sel $0x180000  }
0xa3: {  	[bflag:$0x0] =	sbarrier.arrive $0xFFFF  }
0xa4: {  	p0 =	sne.s32 s1, $0x0;
	_ =	strace $0x90000047  }
0xa5: {  	s0 =	sadd.s32 @!p0 $0x100000, s0;
	[bflag:$0x2] =	sbarrier.arrive $0xFFFF  }
0xa6: {  	[sflag:s0] =	ssyncadd.tile.s32 @!p0 $0x1;
	_ =	shalt  }
.Lfunc_end2:
_tile_overlayer_lowered:
.L_overlay_start_2:
0xa7: {  	(tag) =	ssettag $0x2  }
0xa8: {  	s0 =	rddreg [dreg:$0x0];
	s2 =	stileid.u32  }
0xa9: {  	s1 =	rddreg [dreg:$0x1];
	p0 =	sne.s32 s2, $0x0  }
0xaa: {  	s3 =	rddreg [dreg:$0x2];
	[bflag:$0x3] =	sbarrier.arrive $0xFFFF;
	s2 =	simm.s32 @!p0 $0x1C01  }
0xab: {  	[timem:s3], [sflag:s2] =	dma.local @!p0 [hbm:s0], s1  }
0xac: {  	s0 =	simm.s32 @!p0 $0x1  }
0xad: {  	_ =	swait.ge @!p0 [sflag:s0], s1  }
0xae: {  	s1 =	ssub.s32 @!p0 $0x0, s1;
	[sflag:s0] =	ssyncset.done @!p0 $0x0  }
0xaf: {  	[sflag:s0] =	ssyncadd.s32 @!p0 s1  }
0xb0: {  	[bflag:$0x3] =	sbarrier.arrive $0xFFFF  }
0xb1: {  	_ =	shalt  }

</sc_bundles>
